<compile_context>
chip_gen: v7x
topology: tpu7x:2x2x1
jax: 0.10.2.dev20260603
libtpu: 0.0.44.dev20260713+nightly
codegen_flags: <defaults>
</compile_context>

<pallas_src>
import functools

import jax
import jax.numpy as jnp
from jax import lax
from jax.experimental import pallas as pl
from jax.experimental.pallas import tpu as pltpu
from jax.experimental.pallas import tpu_sc as plsc

_N = 2_000_000
_NUM_SPECIES = 119
_TABLE_PAD = 128
_SCALE = 1.5
_SHIFT = -2.0

_NW = 32
_S = 256_000
_CH = _S // _NW
_LANES = 16

_TC_LANES = 128
_ROWS = _N // _TC_LANES
_SC_ROWS = _S // _TC_LANES
_BLK = 2000
_TC_GRID = -(-(_ROWS - _SC_ROWS) // _BLK)


def _sc_body(en_hbm, spec_hbm, table_hbm, out_hbm, table_v, spec_v, en_v, out_v):
    wid = lax.axis_index("s") * 2 + lax.axis_index("c")
    pltpu.sync_copy(table_hbm, table_v)
    base = wid * _CH
    pltpu.sync_copy(spec_hbm.at[pl.ds(base, _CH)], spec_v)
    pltpu.sync_copy(en_hbm.at[pl.ds(base, _CH)], en_v)

    @plsc.parallel_loop(0, _CH, step=_LANES, unroll=8)
    def vec_body(j):
        sl = pl.ds(j, _LANES)
        idx = spec_v[sl]
        g = plsc.load_gather(table_v, [idx])
        out_v[sl] = g + en_v[sl] * _SCALE + _SHIFT

    pltpu.sync_copy(out_v, out_hbm.at[pl.ds(base, _CH)])


def _tc_body(tab_ref, sp_ref, en_ref, out_ref):
    tab = tab_ref[0:1, :]
    idx = sp_ref[...]
    g = jnp.take_along_axis(jnp.broadcast_to(tab, idx.shape), idx, axis=1)
    out_ref[...] = g + en_ref[...] * _SCALE + _SHIFT


@jax.jit
def _hybrid(per_atom_energies, species, table_padded):
    mesh = plsc.VectorSubcoreMesh(core_axis_name="c", subcore_axis_name="s")
    sc_fn = functools.partial(
        pl.kernel,
        out_type=jax.ShapeDtypeStruct((_S,), jnp.float32),
        mesh=mesh,
        scratch_types=[
            pltpu.VMEM((_TABLE_PAD,), jnp.float32),
            pltpu.VMEM((_CH,), jnp.int32),
            pltpu.VMEM((_CH,), jnp.float32),
            pltpu.VMEM((_CH,), jnp.float32),
        ],
        compiler_params=pltpu.CompilerParams(needs_layout_passes=False),
    )(_sc_body)
    out_sc = sc_fn(per_atom_energies, species, table_padded)

    sp2 = species.reshape(_ROWS, _TC_LANES)
    en2 = per_atom_energies.reshape(_ROWS, _TC_LANES)
    tab2 = table_padded.reshape(1, _TC_LANES)
    out_tc = pl.pallas_call(
        _tc_body,
        grid=(_TC_GRID,),
        in_specs=[
            pl.BlockSpec((1, _TC_LANES), lambda i: (0, 0)),
            pl.BlockSpec((_BLK, _TC_LANES), lambda i: (i + 1, 0)),
            pl.BlockSpec((_BLK, _TC_LANES), lambda i: (i + 1, 0)),
        ],
        out_specs=pl.BlockSpec((_BLK, _TC_LANES), lambda i: (i + 1, 0)),
        out_shape=jax.ShapeDtypeStruct((_ROWS, _TC_LANES), jnp.float32),
    )(tab2, sp2, en2)
    return lax.dynamic_update_slice(out_tc.reshape(_N), out_sc, (0,))


def kernel(per_atom_energies, species, atomic_energy_table):
    species = species.astype(jnp.int32)
    table = jnp.pad(atomic_energy_table.reshape(-1),
                    (0, _TABLE_PAD - _NUM_SPECIES))
    return _hybrid(per_atom_energies, species, table)

# --- scband reference (transcript-rebuilt; emitter-appended) ---
"""Pipeline reference for scband-atomic-energy-layer-62448824484654 (READ-ONLY COPY).

The authoritative reference and input builder live on the scoring server;
editing this copy changes nothing except your own understanding.
"""

import jax, jax.numpy as jnp
import numpy as np

N_ATOMS = 2000000
NUM_SPECIES = 119
SCALE = 1.5
SHIFT = -2.0


def setup_inputs(seed: int = 0) -> dict:
    key = jax.random.key(seed)
    k1, k2, k3 = jax.random.split(key, 3)
    per_atom_energies = jax.random.normal(k1, (N_ATOMS,), dtype=jnp.float32)
    species = jax.random.randint(k2, (N_ATOMS,), 0, NUM_SPECIES, dtype=jnp.int64)
    # hk.Embed(num_species, 1) parameter table
    atomic_energy_table = jax.random.normal(k3, (NUM_SPECIES, 1), dtype=jnp.float32) * 0.1
    return {
        "per_atom_energies": per_atom_energies,
        "species": species,
        "atomic_energy_table": atomic_energy_table,
    }


def reference(per_atom_energies, species, atomic_energy_table):
    # hk.Embed lookup: table[species] -> [N, 1]; .T then tuple-unpack -> [N]
    embedded = jnp.take(atomic_energy_table, species, axis=0)  # [N, 1]
    atomic_energies = embedded.T[0]  # [N]
    # ScaleShiftLayer: x * scale + shift
    scaled = per_atom_energies * SCALE + SHIFT
    return atomic_energies + scaled

if __name__ == "__main__":
    import jax
    _d = setup_inputs()
    print(jax.jit(kernel)(*tuple(_d.values())))

</pallas_src>

<mosaic_0001>
#map = affine_map<(d0, d1) -> (0)>
module attributes {stable_mosaic.version = 14 : i64} {
  func.func @_sc_body(%arg0: i32, %arg1: i32, %arg2: memref<2000000xf32, #tpu.memory_space<hbm>>, %arg3: memref<2000000xi32, #tpu.memory_space<hbm>>, %arg4: memref<128xf32, #tpu.memory_space<hbm>>, %arg5: memref<256000xf32, #tpu.memory_space<hbm>>, %arg6: memref<128xf32, #tpu.memory_space<vmem>>, %arg7: memref<8000xi32, #tpu.memory_space<vmem>>, %arg8: memref<8000xf32, #tpu.memory_space<vmem>>, %arg9: memref<8000xf32, #tpu.memory_space<vmem>>) attributes {dimension_semantics = [#tpu.dimension_semantics<core_parallel>, #tpu.dimension_semantics<subcore_parallel>], iteration_bounds = array<i64: 2, 16>, scalar_prefetch = 0 : i64, scratch_operands = 4 : i64, tpu.core_type = #tpu.core_type<sc_vector_subcore>, window_params = [{transform_indices = #map}, {transform_indices = #map}, {transform_indices = #map}, {transform_indices = #map}]} {
    %mul3A = arith.constant 2 : i32
    %mul3A_0 = arith.muli %arg1, %mul3A : i32
    %add3A = arith.addi %mul3A_0, %arg0 : i32
    "tpu.region"() ({
      %run_scoped3A = tpu.sem_alloc : memref<!tpu.dma_semaphore, #tpu.memory_space<semaphore_mem>>
      tpu.enqueue_dma source(%arg4 : memref<128xf32, #tpu.memory_space<hbm>>) target(%arg6 : memref<128xf32, #tpu.memory_space<vmem>>) target_semaphore(%run_scoped3A : memref<!tpu.dma_semaphore, #tpu.memory_space<semaphore_mem>>)
      tpu.wait_dma2 semaphore(%run_scoped3A : memref<!tpu.dma_semaphore, #tpu.memory_space<semaphore_mem>>) src(%arg4 : memref<128xf32, #tpu.memory_space<hbm>>) dst(%arg6 : memref<128xf32, #tpu.memory_space<vmem>>)
      tpu.yield
    }) : () -> ()
    %mul3A_1 = arith.constant 8000 : i32
    %mul3A_2 = arith.muli %add3A, %mul3A_1 : i32
    "tpu.region"() ({
      %run_scoped3A = tpu.sem_alloc : memref<!tpu.dma_semaphore, #tpu.memory_space<semaphore_mem>>
      %dma_start3A = tpu.memref_slice %arg3[%mul3A_2] : memref<2000000xi32, #tpu.memory_space<hbm>> -> memref<8000xi32, #tpu.memory_space<hbm>>
      %dma_start3A_5 = tpu.memref_slice %arg3[%mul3A_2] : memref<2000000xi32, #tpu.memory_space<hbm>> -> memref<8000xi32, #tpu.memory_space<hbm>>
      tpu.enqueue_dma source(%dma_start3A_5 : memref<8000xi32, #tpu.memory_space<hbm>>) target(%arg7 : memref<8000xi32, #tpu.memory_space<vmem>>) target_semaphore(%run_scoped3A : memref<!tpu.dma_semaphore, #tpu.memory_space<semaphore_mem>>)
      %dma_wait3A = tpu.memref_slice %arg3[%mul3A_2] : memref<2000000xi32, #tpu.memory_space<hbm>> -> memref<8000xi32, #tpu.memory_space<hbm>>
      %dma_wait3A_6 = tpu.memref_slice %arg3[%mul3A_2] : memref<2000000xi32, #tpu.memory_space<hbm>> -> memref<8000xi32, #tpu.memory_space<hbm>>
      tpu.wait_dma2 semaphore(%run_scoped3A : memref<!tpu.dma_semaphore, #tpu.memory_space<semaphore_mem>>) src(%dma_wait3A_6 : memref<8000xi32, #tpu.memory_space<hbm>>) dst(%arg7 : memref<8000xi32, #tpu.memory_space<vmem>>)
      tpu.yield
    }) : () -> ()
    "tpu.region"() ({
      %run_scoped3A = tpu.sem_alloc : memref<!tpu.dma_semaphore, #tpu.memory_space<semaphore_mem>>
      %dma_start3A = tpu.memref_slice %arg2[%mul3A_2] : memref<2000000xf32, #tpu.memory_space<hbm>> -> memref<8000xf32, #tpu.memory_space<hbm>>
      %dma_start3A_5 = tpu.memref_slice %arg2[%mul3A_2] : memref<2000000xf32, #tpu.memory_space<hbm>> -> memref<8000xf32, #tpu.memory_space<hbm>>
      tpu.enqueue_dma source(%dma_start3A_5 : memref<8000xf32, #tpu.memory_space<hbm>>) target(%arg8 : memref<8000xf32, #tpu.memory_space<vmem>>) target_semaphore(%run_scoped3A : memref<!tpu.dma_semaphore, #tpu.memory_space<semaphore_mem>>)
      %dma_wait3A = tpu.memref_slice %arg2[%mul3A_2] : memref<2000000xf32, #tpu.memory_space<hbm>> -> memref<8000xf32, #tpu.memory_space<hbm>>
      %dma_wait3A_6 = tpu.memref_slice %arg2[%mul3A_2] : memref<2000000xf32, #tpu.memory_space<hbm>> -> memref<8000xf32, #tpu.memory_space<hbm>>
      tpu.wait_dma2 semaphore(%run_scoped3A : memref<!tpu.dma_semaphore, #tpu.memory_space<semaphore_mem>>) src(%dma_wait3A_6 : memref<8000xf32, #tpu.memory_space<hbm>>) dst(%arg8 : memref<8000xf32, #tpu.memory_space<vmem>>)
      tpu.yield
    }) : () -> ()
    %parallel_loop3A = arith.constant 0 : i32
    %parallel_loop3A_3 = arith.constant 8000 : i32
    %parallel_loop3A_4 = arith.constant 16 : i32
    scf.for %parallel_loop3A_5 = %parallel_loop3A to %parallel_loop3A_3 step %parallel_loop3A_4  : i32 {
      %parallel_loop3A_6 = arith.index_cast %parallel_loop3A_5 : i32 to index
      %parallel_loop3A_7 = tpu.vector_load %arg7[%parallel_loop3A_6] {strides = array<i32>} : memref<8000xi32, #tpu.memory_space<vmem>>, vector<16xi32>,
      %parallel_loop3A_8 = tpu.vector_load_idx %arg6[%parallel_loop3A_7] : memref<128xf32, #tpu.memory_space<vmem>>[vector<16xi32>], vector<16xf32>,
      %parallel_loop3A_9 = arith.index_cast %parallel_loop3A_5 : i32 to index
      %parallel_loop3A_10 = tpu.vector_load %arg8[%parallel_loop3A_9] {strides = array<i32>} : memref<8000xf32, #tpu.memory_space<vmem>>, vector<16xf32>,
      %parallel_loop3A_11 = arith.constant 1.500000e+00 : f32
      %parallel_loop3A_12 = vector.broadcast %parallel_loop3A_11 : f32 to vector<16xf32>
      %parallel_loop3A_13 = arith.mulf %parallel_loop3A_10, %parallel_loop3A_12 : vector<16xf32>
      %parallel_loop3A_14 = arith.addf %parallel_loop3A_8, %parallel_loop3A_13 : vector<16xf32>
      %parallel_loop3A_15 = arith.constant -2.000000e+00 : f32
      %parallel_loop3A_16 = vector.broadcast %parallel_loop3A_15 : f32 to vector<16xf32>
      %parallel_loop3A_17 = arith.addf %parallel_loop3A_14, %parallel_loop3A_16 : vector<16xf32>
      %parallel_loop3A_18 = arith.index_cast %parallel_loop3A_5 : i32 to index
      %parallel_loop3A_19 = tpu.vector_load %arg9[%parallel_loop3A_18] {strides = array<i32>} : memref<8000xf32, #tpu.memory_space<vmem>>, vector<16xf32>,
      tpu.vector_store %arg9[%parallel_loop3A_18], %parallel_loop3A_17 {strides = array<i32>} : memref<8000xf32, #tpu.memory_space<vmem>>, vector<16xf32>,
    } {sc.loop_unroll_factor = 8 : i64, sc.parallel_access}
    "tpu.region"() ({
      %run_scoped3A = tpu.sem_alloc : memref<!tpu.dma_semaphore, #tpu.memory_space<semaphore_mem>>
      %dma_start3A = tpu.memref_slice %arg5[%mul3A_2] : memref<256000xf32, #tpu.memory_space<hbm>> -> memref<8000xf32, #tpu.memory_space<hbm>>
      %dma_start3A_5 = tpu.memref_slice %arg5[%mul3A_2] : memref<256000xf32, #tpu.memory_space<hbm>> -> memref<8000xf32, #tpu.memory_space<hbm>>
      tpu.enqueue_dma source(%arg9 : memref<8000xf32, #tpu.memory_space<vmem>>) target(%dma_start3A_5 : memref<8000xf32, #tpu.memory_space<hbm>>) target_semaphore(%run_scoped3A : memref<!tpu.dma_semaphore, #tpu.memory_space<semaphore_mem>>)
      %dma_wait3A = tpu.memref_slice %arg5[%mul3A_2] : memref<256000xf32, #tpu.memory_space<hbm>> -> memref<8000xf32, #tpu.memory_space<hbm>>
      %dma_wait3A_6 = tpu.memref_slice %arg5[%mul3A_2] : memref<256000xf32, #tpu.memory_space<hbm>> -> memref<8000xf32, #tpu.memory_space<hbm>>
      tpu.wait_dma2 semaphore(%run_scoped3A : memref<!tpu.dma_semaphore, #tpu.memory_space<semaphore_mem>>) src(%arg9 : memref<8000xf32, #tpu.memory_space<vmem>>) dst(%dma_wait3A_6 : memref<8000xf32, #tpu.memory_space<hbm>>)
      tpu.yield
    }) : () -> ()
    return
  }
}

module attributes {stable_mosaic.version = 14 : i64} {
  func.func @_tc_body(%arg0: i32, %arg1: memref<1x128xf32, #tpu.memory_space<vmem>>, %arg2: memref<2000x128xi32, #tpu.memory_space<vmem>>, %arg3: memref<2000x128xf32, #tpu.memory_space<vmem>>, %arg4: memref<2000x128xf32, #tpu.memory_space<vmem>>) attributes {dimension_semantics = [#tpu.dimension_semantics<arbitrary>], iteration_bounds = array<i64: 7>, scalar_prefetch = 0 : i64, scratch_operands = 0 : i64, tpu.core_type = #tpu.core_type<tc>, window_params = [{pipeline_mode = #tpu.pipeline_mode<synchronous>, transform_indices = @transform_0, window_bounds = array<i64: 1, 128>}, {transform_indices = @transform_1, window_bounds = array<i64: 2000, 128>}, {transform_indices = @transform_2, window_bounds = array<i64: 2000, 128>}, {transform_indices = @transform_3, window_bounds = array<i64: 2000, 128>}]} {
    %get3A = arith.constant 0 : index
    %get3A_0 = arith.constant 0 : index
    %get3A_1 = vector.load %arg1[%get3A, %get3A_0] : memref<1x128xf32, #tpu.memory_space<vmem>>, vector<1x128xf32>
    %get3A_2 = arith.constant 0 : index
    %get3A_3 = arith.constant 0 : index
    %get3A_4 = vector.load %arg2[%get3A_2, %get3A_3] : memref<2000x128xi32, #tpu.memory_space<vmem>>, vector<2000x128xi32>
    %broadcast_in_dim3A = vector.shape_cast %get3A_1 : vector<1x128xf32> to vector<1x128xf32>
    %broadcast_in_dim3A_5 = vector.broadcast %broadcast_in_dim3A : vector<1x128xf32> to vector<2000x128xf32>
    %lt3A = arith.constant 0 : i32
    %lt3A_6 = vector.broadcast %lt3A : i32 to vector<2000x128xi32>
    %lt3A_7 = arith.cmpi slt, %get3A_4, %lt3A_6 : vector<2000x128xi32>
    %add3A = arith.constant 128 : i32
    %add3A_8 = vector.broadcast %add3A : i32 to vector<2000x128xi32>
    %add3A_9 = arith.addi %get3A_4, %add3A_8 : vector<2000x128xi32>
    %select_n3A = arith.select %lt3A_7, %add3A_9, %get3A_4 : vector<2000x128xi1>, vector<2000x128xi32>
    %reshape3A = vector.shape_cast %select_n3A : vector<2000x128xi32> to vector<2000x128x1xi32>
    %gather3A = vector.shape_cast %reshape3A : vector<2000x128x1xi32> to vector<2000x128xi32>
    %gather3A_10 = tpu.dynamic_gather %broadcast_in_dim3A_5[%gather3A] in [1] : vector<2000x128xf32>, vector<2000x128xi32> -> vector<2000x128xf32>
    %get3A_11 = arith.constant 0 : index
    %get3A_12 = arith.constant 0 : index
    %get3A_13 = vector.load %arg3[%get3A_11, %get3A_12] : memref<2000x128xf32, #tpu.memory_space<vmem>>, vector<2000x128xf32>
    %mul3A = arith.constant 1.500000e+00 : f32
    %mul3A_14 = vector.broadcast %mul3A : f32 to vector<2000x128xf32>
    %mul3A_15 = arith.mulf %get3A_13, %mul3A_14 : vector<2000x128xf32>
    %add3A_16 = arith.addf %gather3A_10, %mul3A_15 : vector<2000x128xf32>
    %add3A_17 = arith.constant -2.000000e+00 : f32
    %add3A_18 = vector.broadcast %add3A_17 : f32 to vector<2000x128xf32>
    %add3A_19 = arith.addf %add3A_16, %add3A_18 : vector<2000x128xf32>
    %swap3A = arith.constant 0 : index
    %swap3A_20 = arith.constant 0 : index
    %swap3A_21 = vector.load %arg4[%swap3A, %swap3A_20] : memref<2000x128xf32, #tpu.memory_space<vmem>>, vector<2000x128xf32>
    tpu.vector_store %arg4[%swap3A, %swap3A_20], %add3A_19 {strides = array<i32>} : memref<2000x128xf32, #tpu.memory_space<vmem>>, vector<2000x128xf32>,
    return
  }
  func.func @transform_0(%arg0: i32) -> (i32, i32) {
    %c0_i32 = arith.constant 0 : i32
    %c0_i32_0 = arith.constant 0 : i32
    %c0_i32_1 = arith.constant 0 : i32
    return %c0_i32, %c0_i32_0 : i32, i32
  }
  func.func @transform_1(%arg0: i32) -> (i32, i32) {
    %add3A = arith.constant 1 : i32
    %add3A_0 = arith.addi %arg0, %add3A : i32
    %c0_i32 = arith.constant 0 : i32
    %c0_i32_1 = arith.constant 0 : i32
    return %add3A_0, %c0_i32 : i32, i32
  }
  func.func @transform_2(%arg0: i32) -> (i32, i32) {
    %add3A = arith.constant 1 : i32
    %add3A_0 = arith.addi %arg0, %add3A : i32
    %c0_i32 = arith.constant 0 : i32
    %c0_i32_1 = arith.constant 0 : i32
    return %add3A_0, %c0_i32 : i32, i32
  }
  func.func @transform_3(%arg0: i32) -> (i32, i32) {
    %add3A = arith.constant 1 : i32
    %add3A_0 = arith.addi %arg0, %add3A : i32
    %c0_i32 = arith.constant 0 : i32
    %c0_i32_1 = arith.constant 0 : i32
    return %add3A_0, %c0_i32 : i32, i32
  }
}

</mosaic_0001>

<sc_bundles>
// kernel: _hybrid.4.cloned.1.call-start
scs
__scs_entry_jumppad:
0x0: {  	(pc) =	sbr.rel $0x88, $3  }
0x1: {  	(tag) =	ssettag $0x0;
	lr =	simm.s32 $0x1  }
0x2: {  	[smem:$0x3F9E] =	sst lr;
	_ =	strace $0xD0000000  }
0x3: {  	_ = 	snop  }
0x4: {  	_ = 	snop  }
0x5: {  	_ = 	snop  }
0x6: {  	_ = 	snop  }
0x7: {  	_ = 	snop  }
__scs_overlays_trampoline_lowered:
0x8: {  	[smem:$0x3FAD] =	sst s0  }
0x9: {  	[smem:$0x3FAE] =	sst s1  }
0xa: {  	[smem:$0x3FAF] =	sst s2  }
0xb: {  	[smem:$0x3FB0] =	sst s3  }
0xc: {  	[smem:$0x3FB1] =	sst s4  }
0xd: {  	[smem:$0x3FB2] =	sst s5  }
0xe: {  	[smem:$0x3FB3] =	sst s6  }
0xf: {  	[smem:$0x3FB4] =	sst s7  }
0x10: {  	[smem:$0x3FB5] =	sst s8  }
0x11: {  	[smem:$0x3FB6] =	sst s9;
	s0 =	simm.s32 @!p0 $0x0  }
0x12: {  	s1 =	sld [smem:$0x3F9C];
	s0 =	simm.s32 @p0 $0x1  }
0x13: {  	[smem:$0x3FB7] =	sst s0;
	s0 =	simm.s32 @!p1 $0x0  }
0x14: {  	s2 =	sld [smem:$0x3F9B];
	s0 =	simm.s32 @p1 $0x1  }
0x15: {  	[smem:$0x3FB8] =	sst s0;
	s0 =	simm.s32 @!p2 $0x0  }
0x16: {  	s3 =	sld [smem:$0x3FDB];
	s0 =	simm.s32 @p2 $0x1  }
0x17: {  	s4 =	simm.s32 $0x1BF5;
	[smem:$0x3FBA] =	sst s0  }
0x18: {  	s0 =	sld [smem:$0x3F9D];
	_ =	swait.ge [sflag:s4], $0x0  }
0x19: {  	s7 =	sld [smem:$0x3F9E]  }
0x1a: {  	s8 =	sadd.s32 $0xFFFFE003, lr  }
0x1b: {  	s9 =	sadd.s32 $0xFFFFFEF7, lr;
	s5 =	simm.s32 $0xFFFFFFFF;
	p2 =	slt.u32 s8, $0xFFFFF086  }
0x1c: {  	p1 =	slt.u32 s9, $0xF7A;
	s5 =	simm.s32 @!p2 $0x0  }
0x1d: {  	s5 =	simm.s32 @p1 $0x1;
	p0 =	seq.s32 s7, s2  }
0x1e: {  	s7 =	smul.u32 @!p0 $0xF7A, s2;
	p2 =	seq.s32 @!p0 s5, $0x0  }
0x1f: {  	s9 =	smul.u32 $0xF7A, s1;
	s8 =	simm.s32 @!p0 $0x1BF5;
	p2 =	por !p2, p0  }
0x20: {  	[sflag:s8] =	ssyncset.s32 @!p0 $0xFFFFF086;
	s6 =	sadd.s32 @!p0 s3, s7;
	s7 =	simm.s32 @!p0 $0x108  }
0x21: {  	s3 =	sadd.s32 s3, s9;
	s6 =	sadd.s32 @!p0 $0x88, s6;
	s7 =	simm.s32 @p2 $0x1082  }
0x22: {  	[simem:s7], [sflag:s8] =	dma.local @!p0 [hbm:s6], $0xF7A  }
0x23: {  	s9 =	sor.u32 $0xD0000000, s2;
	s6 =	simm.s32 $0x108;
	_ =	swait.ge @!p0 [sflag:s8], $0x0  }
0x24: {  	s3 =	sadd.s32 $0x88, s3;
	s6 =	simm.s32 @!p1 $0x1082;
	[sflag:s4] =	ssyncset.s32 $0xFFFFF086  }
0x25: {  	[simem:s6], [sflag:s4] =	dma.local [hbm:s3], $0xF7A  }
0x26: {  	[smem:$0x3F9E] =	sst s1;
	(tag) =	ssettag s2;
	_ =	strace s9  }
0x27: {  	s1 =	sld [smem:$0x3FAE]  }
0x28: {  	s2 =	sld [smem:$0x3FAF]  }
0x29: {  	s4 =	sld [smem:$0x3FB1]  }
0x2a: {  	p0 =	seq.s32 s5, $0x0;
	s5 =	sld [smem:$0x3FB2]  }
0x2b: {  	s6 =	sld [smem:$0x3FB3]  }
0x2c: {  	s7 =	sld [smem:$0x3FB4]  }
0x2d: {  	s3 =	simm.s32 $0x108;
	s8 =	sld [smem:$0x3FB5]  }
0x2e: {  	s3 =	simm.s32 @!p0 $0x1082;
	s9 =	sld [smem:$0x3FB6]  }
0x2f: {  	lr =	sadd.s32 s0, s3;
	s0 =	sld [smem:$0x3FAD]  }
0x30: {  	s3 =	sld [smem:$0x3FB0]  }
0x31: {  	[smem:$0x3FB9] =	sst s10  }
0x32: {  	s10 =	sld [smem:$0x3FB7];
	_ =	sdelay $0x3  }
0x33: {  	p0 =	seq.s32 s10, $0x1;
	s10 =	sld [smem:$0x3FB9];
	_ =	sdelay $0x3  }
0x34: {  	[smem:$0x3FB9] =	sst s10  }
0x35: {  	s10 =	sld [smem:$0x3FB8];
	_ =	sdelay $0x3  }
0x36: {  	p1 =	seq.s32 s10, $0x1;
	s10 =	sld [smem:$0x3FB9];
	_ =	sdelay $0x3  }
0x37: {  	[smem:$0x3FB9] =	sst s10  }
0x38: {  	s10 =	sld [smem:$0x3FBA]  }
0x39: {  	_ = 	snop;
	(pc) =	sbr.ind lr, $3  }
0x3a: {  	_ = 	snop  }
0x3b: {  	_ = 	snop  }
0x3c: {  	p2 =	seq.s32 s10, $0x1;
	s10 =	sld [smem:$0x3FB9]  }
0x3d: {  	_ =	shalt  }
0x3e: {  	_ =	shalt  }
0x3f: {  	_ =	shalt  }
0x40: {  	_ =	shalt  }
0x41: {  	_ =	shalt  }
0x42: {  	_ =	shalt  }
0x43: {  	_ =	shalt  }
0x44: {  	_ =	shalt  }
0x45: {  	_ =	shalt  }
0x46: {  	_ =	shalt  }
0x47: {  	_ =	shalt  }
0x48: {  	_ =	shalt  }
0x49: {  	_ =	shalt  }
0x4a: {  	_ =	shalt  }
0x4b: {  	_ =	shalt  }
0x4c: {  	_ =	shalt  }
0x4d: {  	_ =	shalt  }
0x4e: {  	_ =	shalt  }
0x4f: {  	_ =	shalt  }
0x50: {  	_ =	shalt  }
0x51: {  	_ =	shalt  }
0x52: {  	_ =	shalt  }
0x53: {  	_ =	shalt  }
0x54: {  	_ =	shalt  }
0x55: {  	_ =	shalt  }
0x56: {  	_ =	shalt  }
0x57: {  	_ =	shalt  }
0x58: {  	_ =	shalt  }
0x59: {  	_ =	shalt  }
0x5a: {  	_ =	shalt  }
0x5b: {  	_ =	shalt  }
0x5c: {  	_ =	shalt  }
0x5d: {  	_ =	shalt  }
0x5e: {  	_ =	shalt  }
0x5f: {  	_ =	shalt  }
0x60: {  	_ =	shalt  }
0x61: {  	_ =	shalt  }
0x62: {  	_ =	shalt  }
0x63: {  	_ =	shalt  }
0x64: {  	_ =	shalt  }
0x65: {  	_ =	shalt  }
0x66: {  	_ =	shalt  }
0x67: {  	_ =	shalt  }
0x68: {  	_ =	shalt  }
0x69: {  	_ =	shalt  }
0x6a: {  	_ =	shalt  }
0x6b: {  	_ =	shalt  }
0x6c: {  	_ =	shalt  }
0x6d: {  	_ =	shalt  }
0x6e: {  	_ =	shalt  }
0x6f: {  	_ =	shalt  }
0x70: {  	_ =	shalt  }
0x71: {  	_ =	shalt  }
0x72: {  	_ =	shalt  }
0x73: {  	_ =	shalt  }
0x74: {  	_ =	shalt  }
0x75: {  	_ =	shalt  }
0x76: {  	_ =	shalt  }
0x77: {  	_ =	shalt  }
0x78: {  	_ =	shalt  }
0x79: {  	_ =	shalt  }
0x7a: {  	_ =	shalt  }
0x7b: {  	_ =	shalt  }
0x7c: {  	_ =	shalt  }
0x7d: {  	_ =	shalt  }
0x7e: {  	_ =	shalt  }
0x7f: {  	_ =	shalt  }
0x80: {  	_ =	shalt  }
0x81: {  	_ =	shalt  }
0x82: {  	_ =	shalt  }
0x83: {  	_ =	shalt  }
0x84: {  	_ =	shalt  }
0x85: {  	_ =	shalt  }
0x86: {  	_ =	shalt  }
0x87: {  	_ =	shalt  }
.Lfunc_end0:
.L_simem_size_0:
called_computation_lowered:
.L_overlay_start_0:
0x88: {  	s2 =	sld [smem:$0x3FD9]  }
0x89: {  	s3 =	sld [smem:$0x3FFE];
	_ =	sdelay $0x1  }
0x8a: {  	s1 =	srdreg.scid  }
0x8b: {  	s0 =	sand.u32 $0x1, s1  }
0x8c: {  	s17 =	sshll.u32 s0, $0xA;
	s2 =	sadd.s32 s3, s2  }
0x8d: {  	s2 =	sadd.s32 s2, s17  }
0x8e: {  	[smem:$0x3FC5] =	sst s2  }
0x8f: {  	_ = 	snop  }
0x90: {  	s2 =	sld [smem:$0x3FC9]  }
0x91: {  	s18 =	sld [smem:$0x3FC8]  }
0x92: {  	s4 =	sld [smem:$0x3FC7];
	(tm) =	ssettm $0x1  }
0x93: {  	s5 =	sld [smem:$0x3FFB];
	_ =	sdelay $0x3  }
0x94: {  	_ =	strace s5  }
0x95: {  	s5 =	sld [smem:$0x3FFC];
	_ =	sdelay $0x3  }
0x96: {  	_ =	strace s5  }
0x97: {  	s5 =	sld [smem:$0x3FFD];
	_ =	sdelay $0x3  }
0x98: {  	_ =	strace s5  }
0x99: {  	_ =	strace $0x8FFFFFFF  }
0x9a: {  	s19 =	sld [smem:$0x3FDB];
	_ =	sdelay $0x1  }
0x9b: {  	s6 =	simm.s32 $_scs_section_size  }
0x9c: {  	s7 =	simm.s32 $_size__tile_overlayer_lowered;
	s8 =	simm.s32 $_tile_overlayer_lowered  }
0x9d: {  	s22 =	simm.s32 $0x1BFF;
	s21 =	sshll.u32 s8, $0x1;
	s5 =	sadd.s32 s6, s19  }
0x9e: {  	s9 =	simm.s32 $0x0;
	s20 =	sshll.u32 s7, $0x1;
	s7 =	sadd.s32 s21, s5  }
0x9f: {  	[timem:s9], [sflag:s22] =	dma.local [hbm:s7], s20  }
0xa0: {  	_ =	swait.ge [sflag:s22], s20  }
0xa1: {  	s6 =	ssub.s32 $0x0, s20;
	[sflag:s22] =	ssyncset.done $0x0  }
0xa2: {  	[sflag:s22] =	ssyncadd.s32 s6;
	_ =	sdelay $0x1  }
0xa3: {  	s23 =	simm.s32 $0x1B8B  }
0xa4: {  	_ =	swait.ge [sflag:s23], $0x1  }
0xa5: {  	[sflag:s23] =	ssyncset.done $0x0  }
0xa6: {  	s25 =	simm.s32 $0x1B8E;
	s24 =	sld [smem:$0x3FFE];
	[sflag:s23] =	ssyncadd.s32 $0xFFFFFFFF  }
0xa7: {  	s26 =	simm.s32 $execute0_lowered;
	[smem:$0x3FD2] =	sst s25  }
0xa8: {  	s7 =	sshll.u32 s26, $0x1;
	_ =	strace $0x80000046;
	[dreg:$0x1] =	wrdreg $0xFFFFFFFF  }
0xa9: {  	s28 =	simm.s32 $_size_execute0_lowered;
	s5 =	sadd.s32 s5, s7;
	[dreg:$0x0] =	wrdreg $0x0  }
0xaa: {  	s7 =	sshll.u32 s28, $0x1;
	[dreg:$0x2] =	wrdreg s5  }
0xab: {  	[dreg:$0x3] =	wrdreg s7  }
0xac: {  	[dreg:$0x4] =	wrdreg $0xC0  }
0xad: {  	_ =	task [dreg:s9], $0x5FFFF  }
0xae: {  	[dreg:$0x1] =	wrdreg $0xFFFFFFFF  }
0xaf: {  	[dreg:$0x0] =	wrdreg $0x60  }
0xb0: {  	[dreg:$0x2] =	wrdreg s2  }
0xb1: {  	[dreg:$0x3] =	wrdreg s18  }
0xb2: {  	[dreg:$0x4] =	wrdreg s4  }
0xb3: {  	[dreg:$0x5] =	wrdreg s24  }
0xb4: {  	[dreg:$0x6] =	wrdreg $0x9  }
0xb5: {  	_ =	task.clear_ibuf [dreg:s9], $0x7FFFF;
	_ =	strace $0x90000046  }
0xb6: {  	s29 =	simm.s32 $0x9;
	_ =	strace $0x80000048  }
0xb7: {  	_ =	swait.ge [sflag:s29], $0x1  }
0xb8: {  	[sflag:s29] =	ssyncadd.s32 $0xFFFFFFFF  }
0xb9: {  	_ =	strace $0x90000048  }
0xba: {  	_ =	sfence  }
0xbb: {  	s30 =	sld [smem:$0x0];
	_ =	sdelay $0x2  }
0xbc: {  	s31 =	sshll.u32 s1, $0xD;
	s1 =	sshrl.u32 s1, $0x2  }
0xbd: {  	s3 =	sand.u32 $0x4000, s31;
	s1 =	sadd.s32 s1, s30  }
0xbe: {  	s0 =	sor.u32 s3, s0;
	s1 =	sshll.u32 s1, $0x11  }
0xbf: {  	s0 =	sor.u32 s1, s0  }
0xc0: {  	s0 =	sadd.s32 $0x8F2B, s0  }
0xc1: {  	[sflag:s0] =	ssyncadd.remote.s32 $0x1  }
0xc2: {  	_ =	sfence.sel $0xFFFF  }
0xc3: {  	[dreg:$0x0] =	wrdreg $0xFFFFFFFF;
	(pc) =	sbr.abs _section_cstart, $3  }
0xc4: {  	[dreg:$0x1] =	wrdreg $0xFFFFFFFF  }
0xc5: {  	_ =	task.clear_ibuf [dreg:s9], $0x2FFFF;
	_ =	strace $0x9FFFFFFF  }
0xc6: {  	(tm) =	ssettm $0x7FFFFFFF  }
0xc7: {  	_ =	shalt  }
tec
execute0_lowered:
.L_overlay_start_1:
0x0: {  	(tag) =	ssettag $0x1  }
0x1: {  	s5 =	rddreg [dreg:$0x0]  }
0x2: {  	s4 =	rddreg [dreg:$0x1]  }
0x3: {  	s2 =	rddreg [dreg:$0x2];
	s1 =	srdreg.scid  }
0x4: {  	s0 =	stileid.u32;
	s6 =	rddreg [dreg:$0x3]  }
0x5: {  	s10 =	simm.s32 $0x2000;
	s11 =	simm.s32 $0x3F80;
	s12 =	simm.s32 $0x0  }
0x6: {  	s7 =	sand.u32 $0x1, s1;
	s3 =	sshll.u32 s0, $0x1;
	s1 =	rddreg [dreg:$0x4]  }
0x7: {  	s8 =	sor.u32 s7, s3;
	s3 =	simm.s32 $0x0;
	s7 =	ssub.s32 $0x2, s7  }
0x8: {  	s8 =	smul.u32 $0x3E8, s8;
	[smem:$0x7FF] =	sst s3;
	s9 =	sshrl.u32 s7, $0x1  }
0x9: {  	_ =	strace $0x80000047;
	s7 =	ssub.s32 s7, s9;
	s9 =	simm.s32 $0x80  }
0xa: {  	s6 =	sadd.s32 s8, s6;
	s4 =	sadd.s32 s4, s8;
	s5 =	sadd.s32 s5, s8  }
0xb: {  	s7 =	smax.u32 s7, $0x1;
	s8 =	simm.s32 $0x1;
	s6 =	sadd.s32 $0xA00, s6  }
.LBB2_1:
0xc: {  	[tilespmem:s3], [sflag:$0x1] =	stream.linear.gather [hbm4b:s2+s3], $0x80, $0x38;
	[tilespmem:$0x5F00] =	vst v63  }
0xd: {  	_ =	swait.ge [sflag:s8], $0x80  }
0xe: {  	[sflag:s8] =	ssyncset.done $0x0  }
0xf: {  	[sflag:s8] =	ssyncadd.s32 $0xFFFFFF80  }
0x10: {  	[tilespmem:s9], [sflag:$0x1] =	stream.linear.gather [hbm4b:s4+s3], $0x1F40, $0x38;
	[tilespmem:$0x5F00] =	vst v63  }
0x11: {  	_ =	swait.ge [sflag:s8], $0x1F40  }
0x12: {  	[sflag:s8] =	ssyncset.done $0x0  }
0x13: {  	[sflag:s8] =	ssyncadd.s32 $0xFFFFE0C0  }
0x14: {  	[tilespmem:s10], [sflag:$0x1] =	stream.linear.gather [hbm4b:s5+s3], $0x1F40, $0x38;
	[tilespmem:$0x5F00] =	vst v63  }
0x15: {  	_ =	swait.ge [sflag:s8], $0x1F40  }
0x16: {  	[sflag:s8] =	ssyncset.done $0x0  }
0x17: {  	s13 =	simm.s32 $0xC0;
	[sflag:s8] =	ssyncadd.s32 $0xFFFFE0C0  }
0x18: {  	v0 =	vld [tilespmem:s13+$0x30]  }
0x19: {  	v1 =	vld [tilespmem:s13+$0xFFFFFFD0]  }
0x1a: {  	v2 =	vld [tilespmem:s13+$0xFFFFFFE0]  }
0x1b: {  	v3 =	vld [tilespmem:s13+$0xFFFFFFF0]  }
0x1c: {  	v4 =	vld [tilespmem:s13+$0x0]  }
0x1d: {  	v6 =	vld [tilespmem:s13+$0x10]  }
0x1e: {  	s18 =	simm.s32 $0x2040;
	v11 =	vld [tilespmem:s13+$0x20]  }
0x1f: {  	v5 =	vld [tilespmem:s18+$0x30]  }
0x20: {  	v7 =	vld [tilespmem:s13+$0xFFFFFFC0]  }
0x21: {  	v8 =	vld [tilespmem:s18+$0xFFFFFFC0]  }
0x22: {  	v10 =	vld [tilespmem:s18+$0xFFFFFFD0]  }
0x23: {  	v12 =	vld [tilespmem:s18+$0xFFFFFFE0]  }
0x24: {  	v13 =	vld [tilespmem:s18+$0xFFFFFFF0]  }
0x25: {  	v14 =	vld [tilespmem:s18+$0x0]  }
0x26: {  	v0 =	vld.idx.msk [tilespmem:v0+s3+$0x0], $0xffff  }
0x27: {  	v15 =	vld [tilespmem:s18+$0x10]  }
0x28: {  	v16 =	vld [tilespmem:s18+$0x20]  }
0x29: {  	v5 =	vmul.f32 $1.500000000e+00, v5;
	v17 =	vld.idx.msk [tilespmem:v7+s3+$0x0], $0xffff  }
0x2a: {  	v9 =	vld.idx.msk [tilespmem:v1+s3+$0x0], $0xffff  }
0x2b: {  	v7 =	vld.idx.msk [tilespmem:v2+s3+$0x0], $0xffff;
	v0 =	vadd.f32 v5, v0  }
0x2c: {  	v18 =	vmul.f32 $1.500000000e+00, v8;
	v3 =	vld.idx.msk [tilespmem:v3+s3+$0x0], $0xffff  }
0x2d: {  	s17 =	simm.s32 $0x3FC0;
	v1 =	vmul.f32 $1.500000000e+00, v10;
	v2 =	vmul.f32 $1.500000000e+00, v12;
	v4 =	vld.idx.msk [tilespmem:v4+s3+$0x0], $0xffff;
	v0 =	vadd.f32 $-2.000000000e+00, v0  }
0x2e: {  	s19 =	simm.s32 $0x0;
	s14 =	simm.s32 $0x1EF0;
	s15 =	simm.s32 $0x5E80;
	v10 =	vmul.f32 $1.500000000e+00, v13;
	v8 =	vld.idx.msk [tilespmem:v6+s3+$0x0], $0xffff;
	v6 =	vmul.f32 $1.500000000e+00, v15  }
0x2f: {  	s16 =	simm.s32 $0x3F00;
	s20 =	simm.s32 $0x140;
	s13 =	simm.s32 $0x1F80;
	v11 =	vld.idx.msk [tilespmem:v11+s3+$0x0], $0xffff;
	v5 =	vmul.f32 $1.500000000e+00, v14;
	v12 =	vadd.f32 v18, v17;
	[tilespmem:s17+$0x30] =	vst v0;
	v0 =	vmul.f32 $1.500000000e+00, v16  }
.LBB2_2:
0x30: {  	v13 =	vld [tilespmem:s20+$0x30];
	s19 =	sadd.s32 $0x80, s19;
	v1 =	vadd.f32 v1, v9  }
0x31: {  	v2 =	vadd.f32 v2, v7;
	v9 =	vld [tilespmem:s20+$0xFFFFFFD0];
	p0 =	slt.u32 s19, $0x1E80;
	v12 =	vadd.f32 $-2.000000000e+00, v12  }
0x32: {  	v3 =	vadd.f32 v10, v3;
	v7 =	vld [tilespmem:s20+$0xFFFFFFE0];
	v1 =	vadd.f32 $-2.000000000e+00, v1  }
0x33: {  	v2 =	vadd.f32 $-2.000000000e+00, v2;
	v4 =	vadd.f32 v5, v4;
	v14 =	vld [tilespmem:s20+$0xFFFFFFF0];
	[tilespmem:s17+$0xFFFFFFC0] =	vst v12  }
0x34: {  	v12 =	vld [tilespmem:s20+$0x0];
	[tilespmem:s17+$0xFFFFFFD0] =	vst v1;
	v1 =	vadd.f32 $-2.000000000e+00, v3;
	v3 =	vadd.f32 v6, v8  }
0x35: {  	v0 =	vadd.f32 v0, v11;
	v8 =	vld [tilespmem:s20+$0x10];
	[tilespmem:s17+$0xFFFFFFE0] =	vst v2;
	v2 =	vadd.f32 $-2.000000000e+00, v4  }
0x36: {  	s18 =	sadd.s32 $0x80, s18;
	v11 =	vld [tilespmem:s20+$0x20];
	[tilespmem:s17+$0xFFFFFFF0] =	vst v1;
	v1 =	vadd.f32 $-2.000000000e+00, v3  }
0x37: {  	v0 =	vadd.f32 $-2.000000000e+00, v0;
	v3 =	vld [tilespmem:s18+$0x30];
	[tilespmem:s17+$0x0] =	vst v2  }
0x38: {  	v2 =	vld.idx.msk [tilespmem:v13+s3+$0x0], $0xffff;
	[tilespmem:s17+$0x10] =	vst v1  }
0x39: {  	v4 =	vld [tilespmem:s20+$0xFFFFFFC0];
	[tilespmem:s17+$0x20] =	vst v0  }
0x3a: {  	v0 =	vld [tilespmem:s18+$0xFFFFFFC0]  }
0x3b: {  	v1 =	vld [tilespmem:s18+$0xFFFFFFD0]  }
0x3c: {  	v5 =	vld [tilespmem:s18+$0xFFFFFFE0];
	v3 =	vmul.f32 $1.500000000e+00, v3  }
0x3d: {  	v6 =	vld [tilespmem:s18+$0xFFFFFFF0]  }
0x3e: {  	v13 =	vld [tilespmem:s18+$0x0];
	v2 =	vadd.f32 v3, v2  }
0x3f: {  	v15 =	vmul.f32 $1.500000000e+00, v0;
	v0 =	vld [tilespmem:s18+$0x10]  }
0x40: {  	v1 =	vmul.f32 $1.500000000e+00, v1;
	v16 =	vld [tilespmem:s18+$0x20];
	v3 =	vadd.f32 $-2.000000000e+00, v2  }
0x41: {  	s17 =	sadd.s32 $0x80, s17;
	v17 =	vld.idx.msk [tilespmem:v4+s3+$0x0], $0xffff;
	v2 =	vmul.f32 $1.500000000e+00, v5  }
0x42: {  	v9 =	vld.idx.msk [tilespmem:v9+s3+$0x0], $0xffff;
	v10 =	vmul.f32 $1.500000000e+00, v6;
	[tilespmem:s17+$0x30] =	vst v3  }
.Ltmp0:
0x43: {  	v7 =	vld.idx.msk [tilespmem:v7+s3+$0x0], $0xffff;
	v5 =	vmul.f32 $1.500000000e+00, v13;
	(pc) =	sbr.rel @p0 .LBB2_2-.Ltmp0, $4  }
0x44: {  	v3 =	vld.idx.msk [tilespmem:v14+s3+$0x0], $0xffff;
	v6 =	vmul.f32 $1.500000000e+00, v0  }
0x45: {  	v4 =	vld.idx.msk [tilespmem:v12+s3+$0x0], $0xffff;
	v0 =	vmul.f32 $1.500000000e+00, v16  }
0x46: {  	v8 =	vld.idx.msk [tilespmem:v8+s3+$0x0], $0xffff  }
0x47: {  	s20 =	sadd.s32 $0x80, s20;
	v12 =	vadd.f32 v15, v17;
	v11 =	vld.idx.msk [tilespmem:v11+s3+$0x0], $0xffff  }
0x48: {  	v1 =	vadd.f32 v1, v9  }
0x49: {  	v2 =	vadd.f32 v2, v7;
	v59 =	vadd.f32 $-2.000000000e+00, v12  }
0x4a: {  	v3 =	vadd.f32 v10, v3;
	v1 =	vadd.f32 $-2.000000000e+00, v1  }
0x4b: {  	v2 =	vadd.f32 $-2.000000000e+00, v2;
	v4 =	vadd.f32 v5, v4;
	[tilespmem:s17+$0xFFFFFFC0] =	vst v59  }
0x4c: {  	v60 =	vadd.f32 $-2.000000000e+00, v3;
	v61 =	vadd.f32 v6, v8;
	[tilespmem:s17+$0xFFFFFFD0] =	vst v1  }
0x4d: {  	[tilespmem:s17+$0xFFFFFFE0] =	vst v2;
	v62 =	vadd.f32 $-2.000000000e+00, v4;
	v0 =	vadd.f32 v0, v11  }
0x4e: {  	[tilespmem:s17+$0xFFFFFFF0] =	vst v60;
	v63 =	vadd.f32 $-2.000000000e+00, v61  }
0x4f: {  	[tilespmem:s17+$0x0] =	vst v62;
	v0 =	vadd.f32 $-2.000000000e+00, v0  }
0x50: {  	[tilespmem:s17+$0x10] =	vst v63  }
0x51: {  	[tilespmem:s17+$0x20] =	vst v0  }
.LBB2_4:
0x52: {  	v0 =	vld [tilespmem:s13+$0x0];
	_ =	sdelay $0x5  }
0x53: {  	v1 =	vld [tilespmem:s16+$0x0];
	_ =	sdelay $0x1  }
0x54: {  	v0 =	vld.idx.msk [tilespmem:v0+s3+$0x0], $0xffff;
	_ =	sdelay $0x2  }
0x55: {  	s14 =	sadd.s32 $0x10, s14;
	v1 =	vmul.f32 $1.500000000e+00, v1  }
0x56: {  	p0 =	slt.u32 s14, $0x1F30  }
.Ltmp1:
0x57: {  	v0 =	vadd.f32 v1, v0;
	(pc) =	sbr.rel @p0 .LBB2_4-.Ltmp1, $3  }
0x58: {  	_ = 	snop  }
0x59: {  	v0 =	vadd.f32 $-2.000000000e+00, v0;
	_ =	sdelay $0x1  }
0x5a: {  	s16 =	sadd.s32 $0x10, s16;
	s13 =	sadd.s32 $0x10, s13;
	[tilespmem:s15+$0x0] =	vst v0;
	s15 =	sadd.s32 $0x10, s15  }
0x5b: {  	s12 =	sadd.s32 $0x1, s12  }
0x5c: {  	p0 =	sne.s32 s12, s7  }
.Ltmp2:
0x5d: {  	_ = 	snop;
	(pc) =	sbr.rel @p0 .LBB2_1-.Ltmp2, $4  }
0x5e: {  	[hbm4b:s6+s3] =	stream.linear.scatter [tilespmem:s11], [sflag:$0x1], $0x1F40, $0x38;
	[tilespmem:$0x5F00] =	vst v63  }
0x5f: {  	_ =	swait.ge [sflag:s8], $0x1F40  }
0x60: {  	[sflag:s8] =	ssyncset.done $0x0  }
0x61: {  	[sflag:s8] =	ssyncadd.s32 $0xFFFFE0C0  }
0x62: {  	_ =	sfence.sel $0x180000  }
0x63: {  	[bflag:$0x0] =	sbarrier.arrive $0xFFFF  }
0x64: {  	p0 =	sne.s32 s0, $0x0;
	_ =	strace $0x90000047  }
0x65: {  	s0 =	sadd.s32 @!p0 $0x100000, s1;
	[bflag:$0x2] =	sbarrier.arrive $0xFFFF  }
0x66: {  	[sflag:s0] =	ssyncadd.tile.s32 @!p0 $0x1;
	_ =	shalt  }
.Lfunc_end2:
_tile_overlayer_lowered:
.L_overlay_start_2:
0x67: {  	(tag) =	ssettag $0x2  }
0x68: {  	s0 =	rddreg [dreg:$0x0];
	s2 =	stileid.u32  }
0x69: {  	s1 =	rddreg [dreg:$0x1];
	p0 =	sne.s32 s2, $0x0  }
0x6a: {  	s3 =	rddreg [dreg:$0x2];
	[bflag:$0x3] =	sbarrier.arrive $0xFFFF;
	s2 =	simm.s32 @!p0 $0x1C01  }
0x6b: {  	[timem:s3], [sflag:s2] =	dma.local @!p0 [hbm:s0], s1  }
0x6c: {  	s0 =	simm.s32 @!p0 $0x1  }
0x6d: {  	_ =	swait.ge @!p0 [sflag:s0], s1  }
0x6e: {  	s1 =	ssub.s32 @!p0 $0x0, s1;
	[sflag:s0] =	ssyncset.done @!p0 $0x0  }
0x6f: {  	[sflag:s0] =	ssyncadd.s32 @!p0 s1  }
0x70: {  	[bflag:$0x3] =	sbarrier.arrive $0xFFFF  }
0x71: {  	_ =	shalt  }

</sc_bundles>
